<compile_context>
chip_gen: v7x
topology: tpu7x:2x2x1
jax: 0.10.2.dev20260603
libtpu: 0.0.44.dev20260713+nightly
codegen_flags: <defaults>
</compile_context>

<pallas_src>
import functools

import jax
import jax.numpy as jnp
from jax import lax
from jax.experimental import pallas as pl
from jax.experimental.pallas import tpu as pltpu
from jax.experimental.pallas import tpu_sc as plsc

_NC = 2
_NS = 16
_NW = _NC * _NS
_CHUNK = 100
_NBUF = 6


def _position_encoding(seq_len, hidden, start, dtype):
    power = jnp.arange(0, hidden, 2, dtype=dtype) / hidden
    divisor = 10000.0 ** power
    seqpos = jnp.arange(start, seq_len + start, dtype=dtype)
    index = seqpos[:, None] / divisor[None, :]
    pe = jnp.stack((jnp.sin(index), jnp.cos(index)), axis=-1)
    return pe.reshape(seq_len, hidden)


def _body(idx_hbm, table_hbm, pe_hbm, out_hbm, idx_v, rows_v, isem, gsem, osem):
    nb = idx_hbm.shape[0] // _NW
    seq = pe_hbm.shape[0]
    nchunk = seq // _CHUNK
    wid = lax.axis_index("s") * _NC + lax.axis_index("c")
    base = wid * nb

    pltpu.sync_copy(idx_hbm.at[pl.ds(base, nb)], idx_v)

    def stage_a(i):
        buf = lax.rem(i, _NBUF)

        @pl.when(i >= _NBUF)
        def _drain_scatter():
            pltpu.make_async_copy(
                rows_v.at[buf], out_hbm.at[base + i - _NBUF], osem.at[buf]
            ).wait()

        pltpu.async_copy(pe_hbm, rows_v.at[buf], isem.at[buf])

    def stage_b(i):
        buf = lax.rem(i, _NBUF)
        pltpu.make_async_copy(pe_hbm, rows_v.at[buf], isem.at[buf]).wait()
        for j in range(nchunk):
            pltpu.async_copy(
                table_hbm.at[idx_v.at[i, j]],
                rows_v.at[buf, pl.ds(j * _CHUNK, _CHUNK)],
                gsem.at[buf],
                add=True,
            )

    def stage_c(i):
        buf = lax.rem(i, _NBUF)
        for j in range(nchunk):
            pltpu.make_async_copy(
                table_hbm.at[idx_v.at[i, j]],
                rows_v.at[buf, pl.ds(j * _CHUNK, _CHUNK)],
                gsem.at[buf],
            ).wait()
        pltpu.async_copy(rows_v.at[buf], out_hbm.at[base + i], osem.at[buf])

    def loop_body(i, carry):
        @pl.when(i < nb)
        def _a():
            stage_a(i)

        @pl.when(jnp.logical_and(i >= 1, i <= nb))
        def _b():
            stage_b(i - 1)

        @pl.when(i >= 2)
        def _c():
            stage_c(i - 2)

        return carry

    lax.fori_loop(0, nb + 2, loop_body, 0)

    def drain_body(i, carry):
        buf = lax.rem(i, _NBUF)
        pltpu.make_async_copy(
            rows_v.at[buf], out_hbm.at[base + i], osem.at[buf]
        ).wait()
        return carry

    lax.fori_loop(nb - _NBUF, nb, drain_body, 0)


def kernel(inputs, embedding_table):
    batch, seq = inputs.shape
    _, embed = embedding_table.shape
    pe = _position_encoding(seq, embed, 1, embedding_table.dtype)
    idx = inputs.reshape(batch, seq // _CHUNK, _CHUNK)

    mesh = plsc.VectorSubcoreMesh(
        core_axis_name="c", subcore_axis_name="s", num_cores=_NC, num_subcores=_NS
    )
    run = pl.kernel(
        _body,
        out_type=jax.ShapeDtypeStruct((batch, seq, embed), embedding_table.dtype),
        mesh=mesh,
        scratch_types=[
            pltpu.VMEM((batch // _NW, seq // _CHUNK, _CHUNK), jnp.int32),
            pltpu.VMEM((_NBUF, seq, embed), jnp.float32),
            pltpu.SemaphoreType.DMA((_NBUF,)),
            pltpu.SemaphoreType.DMA((_NBUF,)),
            pltpu.SemaphoreType.DMA((_NBUF,)),
        ],
        compiler_params=pltpu.CompilerParams(use_tc_tiling_on_sc=False),
    )
    return run(idx, embedding_table, pe)

# --- scband reference (transcript-rebuilt; emitter-appended) ---
"""Pipeline reference for scband-transformer-input-embedding-45535243273054 (READ-ONLY COPY).

The authoritative reference and input builder live on the scoring server;
editing this copy changes nothing except your own understanding.
"""

import jax, jax.numpy as jnp
import numpy as np

N_SYMBOLS = 1000000
EMBED = 64
BATCH = 1024
SEQ = 200


def position_encoding(seq_len, hidden, start, dtype):
    # rinokeras-style sinusoidal position embedding (interleaved sin/cos)
    power = jnp.arange(0, hidden, 2, dtype=dtype) / hidden
    divisor = 10000.0 ** power
    seqpos = jnp.arange(start, seq_len + start, dtype=dtype)
    index = seqpos[:, None] / divisor[None, :]
    sin_embedding = jnp.sin(index)
    cos_embedding = jnp.cos(index)
    pe = jnp.stack((sin_embedding, cos_embedding), axis=-1).reshape(seq_len, hidden)
    return pe


def setup_inputs(seed: int = 0) -> dict:
    key = jax.random.key(seed)
    k1, k2 = jax.random.split(key)
    inputs = jax.random.randint(k1, (BATCH, SEQ), 0, N_SYMBOLS, dtype=jnp.int32)
    # keras Embedding default init: uniform(-0.05, 0.05)
    embedding_table = jax.random.uniform(k2, (N_SYMBOLS, EMBED), dtype=jnp.float32, minval=-0.05, maxval=0.05)
    return {"inputs": inputs, "embedding_table": embedding_table}


def reference(inputs, embedding_table):
    # embedding lookup
    embedding = jnp.take(embedding_table, inputs, axis=0)
    # embedding_dense is identity (discrete, matching embed size)
    # dropout rate 0 -> identity; batch_norm disabled
    # position encoding added (concat=False), start=1
    pe = position_encoding(embedding.shape[1], embedding.shape[2], 1, embedding.dtype)
    return embedding + pe[None, :, :]

if __name__ == "__main__":
    import jax
    _d = setup_inputs()
    print(jax.jit(kernel)(*tuple(_d.values())))

</pallas_src>

<mosaic_0001>
#map = affine_map<(d0, d1) -> (0, 0, 0)>
#map1 = affine_map<(d0, d1) -> (0, 0)>
module attributes {stable_mosaic.version = 14 : i64} {
  func.func @_body(%arg0: i32, %arg1: i32, %arg2: memref<1024x2x100xi32, #tpu.memory_space<hbm>>, %arg3: memref<1000000x64xf32, #tpu.memory_space<hbm>>, %arg4: memref<200x64xf32, #tpu.memory_space<hbm>>, %arg5: memref<1024x200x64xf32, #tpu.memory_space<hbm>>, %arg6: memref<32x2x100xi32, #tpu.memory_space<vmem>>, %arg7: memref<6x200x64xf32, #tpu.memory_space<vmem>>, %arg8: memref<6x!tpu.dma_semaphore, #tpu.memory_space<semaphore_mem>>, %arg9: memref<6x!tpu.dma_semaphore, #tpu.memory_space<semaphore_mem>>, %arg10: memref<6x!tpu.dma_semaphore, #tpu.memory_space<semaphore_mem>>) attributes {dimension_semantics = [#tpu.dimension_semantics<core_parallel>, #tpu.dimension_semantics<subcore_parallel>], iteration_bounds = array<i64: 2, 16>, scalar_prefetch = 0 : i64, scratch_operands = 5 : i64, tpu.core_type = #tpu.core_type<sc_vector_subcore>, window_params = [{transform_indices = #map}, {transform_indices = #map1}, {transform_indices = #map1}, {transform_indices = #map}]} {
    %mul3A = arith.constant 2 : i32
    %mul3A_0 = arith.muli %arg1, %mul3A : i32
    %add3A = arith.addi %mul3A_0, %arg0 : i32
    %mul3A_1 = arith.constant 32 : i32
    %mul3A_2 = arith.muli %add3A, %mul3A_1 : i32
    "tpu.region"() ({
      %run_scoped3A = tpu.sem_alloc : memref<!tpu.dma_semaphore, #tpu.memory_space<semaphore_mem>>
      %dma_start3A = arith.constant 0 : i32
      %dma_start3A_14 = arith.constant 0 : i32
      %dma_start3A_15 = tpu.memref_slice %arg2[%mul3A_2, %dma_start3A, %dma_start3A_14] : memref<1024x2x100xi32, #tpu.memory_space<hbm>> -> memref<32x2x100xi32, #tpu.memory_space<hbm>>
      %dma_start3A_16 = arith.constant 0 : i32
      %dma_start3A_17 = arith.constant 0 : i32
      %dma_start3A_18 = tpu.memref_slice %arg2[%mul3A_2, %dma_start3A_16, %dma_start3A_17] : memref<1024x2x100xi32, #tpu.memory_space<hbm>> -> memref<32x2x100xi32, #tpu.memory_space<hbm>>
      tpu.enqueue_dma source(%dma_start3A_18 : memref<32x2x100xi32, #tpu.memory_space<hbm>>) target(%arg6 : memref<32x2x100xi32, #tpu.memory_space<vmem>>) target_semaphore(%run_scoped3A : memref<!tpu.dma_semaphore, #tpu.memory_space<semaphore_mem>>)
      %dma_wait3A = arith.constant 0 : i32
      %dma_wait3A_19 = arith.constant 0 : i32
      %dma_wait3A_20 = tpu.memref_slice %arg2[%mul3A_2, %dma_wait3A, %dma_wait3A_19] : memref<1024x2x100xi32, #tpu.memory_space<hbm>> -> memref<32x2x100xi32, #tpu.memory_space<hbm>>
      %dma_wait3A_21 = arith.constant 0 : i32
      %dma_wait3A_22 = arith.constant 0 : i32
      %dma_wait3A_23 = tpu.memref_slice %arg2[%mul3A_2, %dma_wait3A_21, %dma_wait3A_22] : memref<1024x2x100xi32, #tpu.memory_space<hbm>> -> memref<32x2x100xi32, #tpu.memory_space<hbm>>
      tpu.wait_dma2 semaphore(%run_scoped3A : memref<!tpu.dma_semaphore, #tpu.memory_space<semaphore_mem>>) src(%dma_wait3A_23 : memref<32x2x100xi32, #tpu.memory_space<hbm>>) dst(%arg6 : memref<32x2x100xi32, #tpu.memory_space<vmem>>)
      tpu.yield
    }) : () -> ()
    %scan3A = arith.constant 0 : i32
    %scan3A_3 = arith.constant 0 : i32
    %scan3A_4 = arith.constant 34 : i32
    %scan3A_5 = arith.addi %scan3A_3, %scan3A_4 : i32
    %scan3A_6 = arith.constant 1 : i32
    scf.for %scan3A_14 = %scan3A_3 to %scan3A_5 step %scan3A_6  : i32 {
      %lt3A = arith.constant 32 : i32
      %lt3A_15 = arith.cmpi slt, %scan3A_14, %lt3A : i32
      %convert_element_type3A = arith.extui %lt3A_15 : i1 to i32
      %cond3A = arith.constant 0 : i32
      %cond3A_16 = arith.cmpi ne, %convert_element_type3A, %cond3A : i32
      scf.if %cond3A_16 {
        %rem3A = arith.constant 6 : i32
        %rem3A_27 = arith.remsi %scan3A_14, %rem3A : i32
        %ge3A_28 = arith.constant 6 : i32
        %ge3A_29 = arith.cmpi sge, %scan3A_14, %ge3A_28 : i32
        %convert_element_type3A_30 = arith.extui %ge3A_29 : i1 to i32
        %cond3A_31 = arith.constant 0 : i32
        %cond3A_32 = arith.cmpi ne, %convert_element_type3A_30, %cond3A_31 : i32
        scf.if %cond3A_32 {
          %add3A_42 = arith.addi %mul3A_2, %scan3A_14 : i32
          %sub3A = arith.constant 6 : i32
          %sub3A_43 = arith.subi %add3A_42, %sub3A : i32
          %dma_wait3A = arith.constant 0 : i32
          %dma_wait3A_44 = arith.constant 0 : i32
          %dma_wait3A_45 = tpu.memref_slice %arg7[%rem3A_27, %dma_wait3A, %dma_wait3A_44] : memref<6x200x64xf32, #tpu.memory_space<vmem>> -> memref<1x200x64xf32, #tpu.memory_space<vmem>>
          %dma_wait3A_46 = tpu.memref_squeeze %dma_wait3A_45 : memref<1x200x64xf32, #tpu.memory_space<vmem>> -> memref<200x64xf32, #tpu.memory_space<vmem>>
          %dma_wait3A_47 = arith.constant 0 : i32
          %dma_wait3A_48 = arith.constant 0 : i32
          %dma_wait3A_49 = tpu.memref_slice %arg5[%sub3A_43, %dma_wait3A_47, %dma_wait3A_48] : memref<1024x200x64xf32, #tpu.memory_space<hbm>> -> memref<1x200x64xf32, #tpu.memory_space<hbm>>
          %dma_wait3A_50 = tpu.memref_squeeze %dma_wait3A_49 : memref<1x200x64xf32, #tpu.memory_space<hbm>> -> memref<200x64xf32, #tpu.memory_space<hbm>>
          %dma_wait3A_51 = tpu.memref_slice %arg10[%rem3A_27] : memref<6x!tpu.dma_semaphore, #tpu.memory_space<semaphore_mem>> -> memref<1x!tpu.dma_semaphore, #tpu.memory_space<semaphore_mem>>
          %dma_wait3A_52 = tpu.memref_squeeze %dma_wait3A_51 : memref<1x!tpu.dma_semaphore, #tpu.memory_space<semaphore_mem>> -> memref<!tpu.dma_semaphore, #tpu.memory_space<semaphore_mem>>
          %dma_wait3A_53 = arith.constant 0 : i32
          %dma_wait3A_54 = arith.constant 0 : i32
          %dma_wait3A_55 = tpu.memref_slice %arg5[%sub3A_43, %dma_wait3A_53, %dma_wait3A_54] : memref<1024x200x64xf32, #tpu.memory_space<hbm>> -> memref<1x200x64xf32, #tpu.memory_space<hbm>>
          %dma_wait3A_56 = tpu.memref_squeeze %dma_wait3A_55 : memref<1x200x64xf32, #tpu.memory_space<hbm>> -> memref<200x64xf32, #tpu.memory_space<hbm>>
          %dma_wait3A_57 = arith.constant 0 : i32
          %dma_wait3A_58 = arith.constant 0 : i32
          %dma_wait3A_59 = tpu.memref_slice %arg7[%rem3A_27, %dma_wait3A_57, %dma_wait3A_58] : memref<6x200x64xf32, #tpu.memory_space<vmem>> -> memref<1x200x64xf32, #tpu.memory_space<vmem>>
          %dma_wait3A_60 = tpu.memref_squeeze %dma_wait3A_59 : memref<1x200x64xf32, #tpu.memory_space<vmem>> -> memref<200x64xf32, #tpu.memory_space<vmem>>
          tpu.wait_dma2 semaphore(%dma_wait3A_52 : memref<!tpu.dma_semaphore, #tpu.memory_space<semaphore_mem>>) src(%dma_wait3A_60 : memref<200x64xf32, #tpu.memory_space<vmem>>) dst(%dma_wait3A_56 : memref<200x64xf32, #tpu.memory_space<hbm>>)
        } else {
        }
        %dma_start3A = arith.constant 0 : i32
        %dma_start3A_33 = arith.constant 0 : i32
        %dma_start3A_34 = tpu.memref_slice %arg7[%rem3A_27, %dma_start3A, %dma_start3A_33] : memref<6x200x64xf32, #tpu.memory_space<vmem>> -> memref<1x200x64xf32, #tpu.memory_space<vmem>>
        %dma_start3A_35 = tpu.memref_squeeze %dma_start3A_34 : memref<1x200x64xf32, #tpu.memory_space<vmem>> -> memref<200x64xf32, #tpu.memory_space<vmem>>
        %dma_start3A_36 = tpu.memref_slice %arg8[%rem3A_27] : memref<6x!tpu.dma_semaphore, #tpu.memory_space<semaphore_mem>> -> memref<1x!tpu.dma_semaphore, #tpu.memory_space<semaphore_mem>>
        %dma_start3A_37 = tpu.memref_squeeze %dma_start3A_36 : memref<1x!tpu.dma_semaphore, #tpu.memory_space<semaphore_mem>> -> memref<!tpu.dma_semaphore, #tpu.memory_space<semaphore_mem>>
        %dma_start3A_38 = arith.constant 0 : i32
        %dma_start3A_39 = arith.constant 0 : i32
        %dma_start3A_40 = tpu.memref_slice %arg7[%rem3A_27, %dma_start3A_38, %dma_start3A_39] : memref<6x200x64xf32, #tpu.memory_space<vmem>> -> memref<1x200x64xf32, #tpu.memory_space<vmem>>
        %dma_start3A_41 = tpu.memref_squeeze %dma_start3A_40 : memref<1x200x64xf32, #tpu.memory_space<vmem>> -> memref<200x64xf32, #tpu.memory_space<vmem>>
        tpu.enqueue_dma source(%arg4 : memref<200x64xf32, #tpu.memory_space<hbm>>) target(%dma_start3A_41 : memref<200x64xf32, #tpu.memory_space<vmem>>) target_semaphore(%dma_start3A_37 : memref<!tpu.dma_semaphore, #tpu.memory_space<semaphore_mem>>)
      } else {
      }
      %ge3A = arith.constant 1 : i32
      %ge3A_17 = arith.cmpi sge, %scan3A_14, %ge3A : i32
      %le3A = arith.constant 32 : i32
      %le3A_18 = arith.cmpi sle, %scan3A_14, %le3A : i32
      %and3A = arith.andi %ge3A_17, %le3A_18 : i1
      %convert_element_type3A_19 = arith.extui %and3A : i1 to i32
      %cond3A_20 = arith.constant 0 : i32
      %cond3A_21 = arith.cmpi ne, %convert_element_type3A_19, %cond3A_20 : i32
      scf.if %cond3A_21 {
        %sub3A = arith.constant 1 : i32
        %sub3A_27 = arith.subi %scan3A_14, %sub3A : i32
        %rem3A = arith.constant 6 : i32
        %rem3A_28 = arith.remsi %sub3A_27, %rem3A : i32
        %dma_wait3A = arith.constant 0 : i32
        %dma_wait3A_29 = arith.constant 0 : i32
        %dma_wait3A_30 = tpu.memref_slice %arg7[%rem3A_28, %dma_wait3A, %dma_wait3A_29] : memref<6x200x64xf32, #tpu.memory_space<vmem>> -> memref<1x200x64xf32, #tpu.memory_space<vmem>>
        %dma_wait3A_31 = tpu.memref_squeeze %dma_wait3A_30 : memref<1x200x64xf32, #tpu.memory_space<vmem>> -> memref<200x64xf32, #tpu.memory_space<vmem>>
        %dma_wait3A_32 = tpu.memref_slice %arg8[%rem3A_28] : memref<6x!tpu.dma_semaphore, #tpu.memory_space<semaphore_mem>> -> memref<1x!tpu.dma_semaphore, #tpu.memory_space<semaphore_mem>>
        %dma_wait3A_33 = tpu.memref_squeeze %dma_wait3A_32 : memref<1x!tpu.dma_semaphore, #tpu.memory_space<semaphore_mem>> -> memref<!tpu.dma_semaphore, #tpu.memory_space<semaphore_mem>>
        %dma_wait3A_34 = arith.constant 0 : i32
        %dma_wait3A_35 = arith.constant 0 : i32
        %dma_wait3A_36 = tpu.memref_slice %arg7[%rem3A_28, %dma_wait3A_34, %dma_wait3A_35] : memref<6x200x64xf32, #tpu.memory_space<vmem>> -> memref<1x200x64xf32, #tpu.memory_space<vmem>>
        %dma_wait3A_37 = tpu.memref_squeeze %dma_wait3A_36 : memref<1x200x64xf32, #tpu.memory_space<vmem>> -> memref<200x64xf32, #tpu.memory_space<vmem>>
        tpu.wait_dma2 semaphore(%dma_wait3A_33 : memref<!tpu.dma_semaphore, #tpu.memory_space<semaphore_mem>>) src(%arg4 : memref<200x64xf32, #tpu.memory_space<hbm>>) dst(%dma_wait3A_37 : memref<200x64xf32, #tpu.memory_space<vmem>>)
        %dma_start3A = arith.constant 0 : i32
        %dma_start3A_38 = arith.constant 0 : i32
        %dma_start3A_39 = arith.constant 0 : i32
        %dma_start3A_40 = tpu.memref_slice %arg7[%rem3A_28, %dma_start3A_38, %dma_start3A_39] : memref<6x200x64xf32, #tpu.memory_space<vmem>> -> memref<1x100x64xf32, #tpu.memory_space<vmem>>
        %dma_start3A_41 = tpu.memref_squeeze %dma_start3A_40 : memref<1x100x64xf32, #tpu.memory_space<vmem>> -> memref<100x64xf32, #tpu.memory_space<vmem>>
        %dma_start3A_42 = arith.constant 0 : i32
        %dma_start3A_43 = tpu.memref_slice %arg6[%sub3A_27, %dma_start3A, %dma_start3A_42] : memref<32x2x100xi32, #tpu.memory_space<vmem>> -> memref<1x1x100xi32, #tpu.memory_space<vmem>>
        %dma_start3A_44 = tpu.memref_squeeze %dma_start3A_43 : memref<1x1x100xi32, #tpu.memory_space<vmem>> -> memref<100xi32, #tpu.memory_space<vmem>>
        %dma_start3A_45 = arith.constant 0 : i32
        %dma_start3A_46 = arith.constant 0 : i32
        %dma_start3A_47 = tpu.memref_slice %arg3[%dma_start3A_45, %dma_start3A_46] : memref<1000000x64xf32, #tpu.memory_space<hbm>> -> memref<1000000x64xf32, #tpu.memory_space<hbm>>
        %dma_start3A_48 = tpu.memref_slice %arg9[%rem3A_28] : memref<6x!tpu.dma_semaphore, #tpu.memory_space<semaphore_mem>> -> memref<1x!tpu.dma_semaphore, #tpu.memory_space<semaphore_mem>>
        %dma_start3A_49 = tpu.memref_squeeze %dma_start3A_48 : memref<1x!tpu.dma_semaphore, #tpu.memory_space<semaphore_mem>> -> memref<!tpu.dma_semaphore, #tpu.memory_space<semaphore_mem>>
        tpu.enqueue_indirect_dma source(%dma_start3A_47 : memref<1000000x64xf32, #tpu.memory_space<hbm>>) target(%dma_start3A_41 : memref<100x64xf32, #tpu.memory_space<vmem>>) offsets(%dma_start3A_44 : memref<100xi32, #tpu.memory_space<vmem>>) semaphore(%dma_start3A_49 : memref<!tpu.dma_semaphore, #tpu.memory_space<semaphore_mem>>) {add = true}
        %dma_start3A_50 = arith.constant 1 : i32
        %dma_start3A_51 = arith.constant 100 : i32
        %dma_start3A_52 = arith.constant 0 : i32
        %dma_start3A_53 = tpu.memref_slice %arg7[%rem3A_28, %dma_start3A_51, %dma_start3A_52] : memref<6x200x64xf32, #tpu.memory_space<vmem>> -> memref<1x100x64xf32, #tpu.memory_space<vmem>>
        %dma_start3A_54 = tpu.memref_squeeze %dma_start3A_53 : memref<1x100x64xf32, #tpu.memory_space<vmem>> -> memref<100x64xf32, #tpu.memory_space<vmem>>
        %dma_start3A_55 = arith.constant 0 : i32
        %dma_start3A_56 = tpu.memref_slice %arg6[%sub3A_27, %dma_start3A_50, %dma_start3A_55] : memref<32x2x100xi32, #tpu.memory_space<vmem>> -> memref<1x1x100xi32, #tpu.memory_space<vmem>>
        %dma_start3A_57 = tpu.memref_squeeze %dma_start3A_56 : memref<1x1x100xi32, #tpu.memory_space<vmem>> -> memref<100xi32, #tpu.memory_space<vmem>>
        %dma_start3A_58 = arith.constant 0 : i32
        %dma_start3A_59 = arith.constant 0 : i32
        %dma_start3A_60 = tpu.memref_slice %arg3[%dma_start3A_58, %dma_start3A_59] : memref<1000000x64xf32, #tpu.memory_space<hbm>> -> memref<1000000x64xf32, #tpu.memory_space<hbm>>
        %dma_start3A_61 = tpu.memref_slice %arg9[%rem3A_28] : memref<6x!tpu.dma_semaphore, #tpu.memory_space<semaphore_mem>> -> memref<1x!tpu.dma_semaphore, #tpu.memory_space<semaphore_mem>>
        %dma_start3A_62 = tpu.memref_squeeze %dma_start3A_61 : memref<1x!tpu.dma_semaphore, #tpu.memory_space<semaphore_mem>> -> memref<!tpu.dma_semaphore, #tpu.memory_space<semaphore_mem>>
        tpu.enqueue_indirect_dma source(%dma_start3A_60 : memref<1000000x64xf32, #tpu.memory_space<hbm>>) target(%dma_start3A_54 : memref<100x64xf32, #tpu.memory_space<vmem>>) offsets(%dma_start3A_57 : memref<100xi32, #tpu.memory_space<vmem>>) semaphore(%dma_start3A_62 : memref<!tpu.dma_semaphore, #tpu.memory_space<semaphore_mem>>) {add = true}
      } else {
      }
      %ge3A_22 = arith.constant 2 : i32
      %ge3A_23 = arith.cmpi sge, %scan3A_14, %ge3A_22 : i32
      %convert_element_type3A_24 = arith.extui %ge3A_23 : i1 to i32
      %cond3A_25 = arith.constant 0 : i32
      %cond3A_26 = arith.cmpi ne, %convert_element_type3A_24, %cond3A_25 : i32
      scf.if %cond3A_26 {
        %sub3A = arith.constant 2 : i32
        %sub3A_27 = arith.subi %scan3A_14, %sub3A : i32
        %rem3A = arith.constant 6 : i32
        %rem3A_28 = arith.remsi %sub3A_27, %rem3A : i32
        %dma_wait3A = arith.constant 0 : i32
        %dma_wait3A_29 = arith.constant 0 : i32
        %dma_wait3A_30 = arith.constant 0 : i32
        %dma_wait3A_31 = tpu.memref_slice %arg7[%rem3A_28, %dma_wait3A_29, %dma_wait3A_30] : memref<6x200x64xf32, #tpu.memory_space<vmem>> -> memref<1x100x64xf32, #tpu.memory_space<vmem>>
        %dma_wait3A_32 = tpu.memref_squeeze %dma_wait3A_31 : memref<1x100x64xf32, #tpu.memory_space<vmem>> -> memref<100x64xf32, #tpu.memory_space<vmem>>
        %dma_wait3A_33 = arith.constant 0 : i32
        %dma_wait3A_34 = tpu.memref_slice %arg6[%sub3A_27, %dma_wait3A, %dma_wait3A_33] : memref<32x2x100xi32, #tpu.memory_space<vmem>> -> memref<1x1x100xi32, #tpu.memory_space<vmem>>
        %dma_wait3A_35 = tpu.memref_squeeze %dma_wait3A_34 : memref<1x1x100xi32, #tpu.memory_space<vmem>> -> memref<100xi32, #tpu.memory_space<vmem>>
        %dma_wait3A_36 = arith.constant 0 : i32
        %dma_wait3A_37 = arith.constant 0 : i32
        %dma_wait3A_38 = tpu.memref_slice %arg3[%dma_wait3A_36, %dma_wait3A_37] : memref<1000000x64xf32, #tpu.memory_space<hbm>> -> memref<1000000x64xf32, #tpu.memory_space<hbm>>
        %dma_wait3A_39 = tpu.memref_slice %arg9[%rem3A_28] : memref<6x!tpu.dma_semaphore, #tpu.memory_space<semaphore_mem>> -> memref<1x!tpu.dma_semaphore, #tpu.memory_space<semaphore_mem>>
        %dma_wait3A_40 = tpu.memref_squeeze %dma_wait3A_39 : memref<1x!tpu.dma_semaphore, #tpu.memory_space<semaphore_mem>> -> memref<!tpu.dma_semaphore, #tpu.memory_space<semaphore_mem>>
        tpu.wait_indirect_dma semaphore(%dma_wait3A_40 : memref<!tpu.dma_semaphore, #tpu.memory_space<semaphore_mem>>) src(%dma_wait3A_38 : memref<1000000x64xf32, #tpu.memory_space<hbm>>) dst(%dma_wait3A_32 : memref<100x64xf32, #tpu.memory_space<vmem>>)
        %dma_wait3A_41 = arith.constant 1 : i32
        %dma_wait3A_42 = arith.constant 100 : i32
        %dma_wait3A_43 = arith.constant 0 : i32
        %dma_wait3A_44 = tpu.memref_slice %arg7[%rem3A_28, %dma_wait3A_42, %dma_wait3A_43] : memref<6x200x64xf32, #tpu.memory_space<vmem>> -> memref<1x100x64xf32, #tpu.memory_space<vmem>>
        %dma_wait3A_45 = tpu.memref_squeeze %dma_wait3A_44 : memref<1x100x64xf32, #tpu.memory_space<vmem>> -> memref<100x64xf32, #tpu.memory_space<vmem>>
        %dma_wait3A_46 = arith.constant 0 : i32
        %dma_wait3A_47 = tpu.memref_slice %arg6[%sub3A_27, %dma_wait3A_41, %dma_wait3A_46] : memref<32x2x100xi32, #tpu.memory_space<vmem>> -> memref<1x1x100xi32, #tpu.memory_space<vmem>>
        %dma_wait3A_48 = tpu.memref_squeeze %dma_wait3A_47 : memref<1x1x100xi32, #tpu.memory_space<vmem>> -> memref<100xi32, #tpu.memory_space<vmem>>
        %dma_wait3A_49 = arith.constant 0 : i32
        %dma_wait3A_50 = arith.constant 0 : i32
        %dma_wait3A_51 = tpu.memref_slice %arg3[%dma_wait3A_49, %dma_wait3A_50] : memref<1000000x64xf32, #tpu.memory_space<hbm>> -> memref<1000000x64xf32, #tpu.memory_space<hbm>>
        %dma_wait3A_52 = tpu.memref_slice %arg9[%rem3A_28] : memref<6x!tpu.dma_semaphore, #tpu.memory_space<semaphore_mem>> -> memref<1x!tpu.dma_semaphore, #tpu.memory_space<semaphore_mem>>
        %dma_wait3A_53 = tpu.memref_squeeze %dma_wait3A_52 : memref<1x!tpu.dma_semaphore, #tpu.memory_space<semaphore_mem>> -> memref<!tpu.dma_semaphore, #tpu.memory_space<semaphore_mem>>
        tpu.wait_indirect_dma semaphore(%dma_wait3A_53 : memref<!tpu.dma_semaphore, #tpu.memory_space<semaphore_mem>>) src(%dma_wait3A_51 : memref<1000000x64xf32, #tpu.memory_space<hbm>>) dst(%dma_wait3A_45 : memref<100x64xf32, #tpu.memory_space<vmem>>)
        %add3A_54 = arith.addi %mul3A_2, %sub3A_27 : i32
        %dma_start3A = arith.constant 0 : i32
        %dma_start3A_55 = arith.constant 0 : i32
        %dma_start3A_56 = tpu.memref_slice %arg7[%rem3A_28, %dma_start3A, %dma_start3A_55] : memref<6x200x64xf32, #tpu.memory_space<vmem>> -> memref<1x200x64xf32, #tpu.memory_space<vmem>>
        %dma_start3A_57 = tpu.memref_squeeze %dma_start3A_56 : memref<1x200x64xf32, #tpu.memory_space<vmem>> -> memref<200x64xf32, #tpu.memory_space<vmem>>
        %dma_start3A_58 = arith.constant 0 : i32
        %dma_start3A_59 = arith.constant 0 : i32
        %dma_start3A_60 = tpu.memref_slice %arg5[%add3A_54, %dma_start3A_58, %dma_start3A_59] : memref<1024x200x64xf32, #tpu.memory_space<hbm>> -> memref<1x200x64xf32, #tpu.memory_space<hbm>>
        %dma_start3A_61 = tpu.memref_squeeze %dma_start3A_60 : memref<1x200x64xf32, #tpu.memory_space<hbm>> -> memref<200x64xf32, #tpu.memory_space<hbm>>
        %dma_start3A_62 = tpu.memref_slice %arg10[%rem3A_28] : memref<6x!tpu.dma_semaphore, #tpu.memory_space<semaphore_mem>> -> memref<1x!tpu.dma_semaphore, #tpu.memory_space<semaphore_mem>>
        %dma_start3A_63 = tpu.memref_squeeze %dma_start3A_62 : memref<1x!tpu.dma_semaphore, #tpu.memory_space<semaphore_mem>> -> memref<!tpu.dma_semaphore, #tpu.memory_space<semaphore_mem>>
        %dma_start3A_64 = arith.constant 0 : i32
        %dma_start3A_65 = arith.constant 0 : i32
        %dma_start3A_66 = tpu.memref_slice %arg5[%add3A_54, %dma_start3A_64, %dma_start3A_65] : memref<1024x200x64xf32, #tpu.memory_space<hbm>> -> memref<1x200x64xf32, #tpu.memory_space<hbm>>
        %dma_start3A_67 = tpu.memref_squeeze %dma_start3A_66 : memref<1x200x64xf32, #tpu.memory_space<hbm>> -> memref<200x64xf32, #tpu.memory_space<hbm>>
        %dma_start3A_68 = arith.constant 0 : i32
        %dma_start3A_69 = arith.constant 0 : i32
        %dma_start3A_70 = tpu.memref_slice %arg7[%rem3A_28, %dma_start3A_68, %dma_start3A_69] : memref<6x200x64xf32, #tpu.memory_space<vmem>> -> memref<1x200x64xf32, #tpu.memory_space<vmem>>
        %dma_start3A_71 = tpu.memref_squeeze %dma_start3A_70 : memref<1x200x64xf32, #tpu.memory_space<vmem>> -> memref<200x64xf32, #tpu.memory_space<vmem>>
        tpu.enqueue_dma source(%dma_start3A_71 : memref<200x64xf32, #tpu.memory_space<vmem>>) target(%dma_start3A_67 : memref<200x64xf32, #tpu.memory_space<hbm>>) target_semaphore(%dma_start3A_63 : memref<!tpu.dma_semaphore, #tpu.memory_space<semaphore_mem>>)
      } else {
      }
    }
    %scan3A_7 = arith.constant 34 : i32
    %scan3A_8 = arith.constant 0 : i32
    %scan3A_9 = arith.constant 26 : i32
    %scan3A_10 = arith.constant 6 : i32
    %scan3A_11 = arith.addi %scan3A_9, %scan3A_10 : i32
    %scan3A_12 = arith.constant 1 : i32
    scf.for %scan3A_14 = %scan3A_9 to %scan3A_11 step %scan3A_12  : i32 {
      %rem3A = arith.constant 6 : i32
      %rem3A_15 = arith.remsi %scan3A_14, %rem3A : i32
      %add3A_16 = arith.addi %mul3A_2, %scan3A_14 : i32
      %dma_wait3A = arith.constant 0 : i32
      %dma_wait3A_17 = arith.constant 0 : i32
      %dma_wait3A_18 = tpu.memref_slice %arg7[%rem3A_15, %dma_wait3A, %dma_wait3A_17] : memref<6x200x64xf32, #tpu.memory_space<vmem>> -> memref<1x200x64xf32, #tpu.memory_space<vmem>>
      %dma_wait3A_19 = tpu.memref_squeeze %dma_wait3A_18 : memref<1x200x64xf32, #tpu.memory_space<vmem>> -> memref<200x64xf32, #tpu.memory_space<vmem>>
      %dma_wait3A_20 = arith.constant 0 : i32
      %dma_wait3A_21 = arith.constant 0 : i32
      %dma_wait3A_22 = tpu.memref_slice %arg5[%add3A_16, %dma_wait3A_20, %dma_wait3A_21] : memref<1024x200x64xf32, #tpu.memory_space<hbm>> -> memref<1x200x64xf32, #tpu.memory_space<hbm>>
      %dma_wait3A_23 = tpu.memref_squeeze %dma_wait3A_22 : memref<1x200x64xf32, #tpu.memory_space<hbm>> -> memref<200x64xf32, #tpu.memory_space<hbm>>
      %dma_wait3A_24 = tpu.memref_slice %arg10[%rem3A_15] : memref<6x!tpu.dma_semaphore, #tpu.memory_space<semaphore_mem>> -> memref<1x!tpu.dma_semaphore, #tpu.memory_space<semaphore_mem>>
      %dma_wait3A_25 = tpu.memref_squeeze %dma_wait3A_24 : memref<1x!tpu.dma_semaphore, #tpu.memory_space<semaphore_mem>> -> memref<!tpu.dma_semaphore, #tpu.memory_space<semaphore_mem>>
      %dma_wait3A_26 = arith.constant 0 : i32
      %dma_wait3A_27 = arith.constant 0 : i32
      %dma_wait3A_28 = tpu.memref_slice %arg5[%add3A_16, %dma_wait3A_26, %dma_wait3A_27] : memref<1024x200x64xf32, #tpu.memory_space<hbm>> -> memref<1x200x64xf32, #tpu.memory_space<hbm>>
      %dma_wait3A_29 = tpu.memref_squeeze %dma_wait3A_28 : memref<1x200x64xf32, #tpu.memory_space<hbm>> -> memref<200x64xf32, #tpu.memory_space<hbm>>
      %dma_wait3A_30 = arith.constant 0 : i32
      %dma_wait3A_31 = arith.constant 0 : i32
      %dma_wait3A_32 = tpu.memref_slice %arg7[%rem3A_15, %dma_wait3A_30, %dma_wait3A_31] : memref<6x200x64xf32, #tpu.memory_space<vmem>> -> memref<1x200x64xf32, #tpu.memory_space<vmem>>
      %dma_wait3A_33 = tpu.memref_squeeze %dma_wait3A_32 : memref<1x200x64xf32, #tpu.memory_space<vmem>> -> memref<200x64xf32, #tpu.memory_space<vmem>>
      tpu.wait_dma2 semaphore(%dma_wait3A_25 : memref<!tpu.dma_semaphore, #tpu.memory_space<semaphore_mem>>) src(%dma_wait3A_33 : memref<200x64xf32, #tpu.memory_space<vmem>>) dst(%dma_wait3A_29 : memref<200x64xf32, #tpu.memory_space<hbm>>)
    }
    %scan3A_13 = arith.constant 6 : i32
    return
  }
}

</mosaic_0001>

<sc_bundles>
// kernel: kernel.3.cloned.1.call-start
scs
__scs_entry_jumppad:
0x0: {  	(pc) =	sbr.rel $0x88, $3  }
0x1: {  	(tag) =	ssettag $0x0;
	lr =	simm.s32 $0x1  }
0x2: {  	[smem:$0x3F9F] =	sst lr;
	_ =	strace $0xD0000000  }
0x3: {  	_ = 	snop  }
0x4: {  	_ = 	snop  }
0x5: {  	_ = 	snop  }
0x6: {  	_ = 	snop  }
0x7: {  	_ = 	snop  }
__scs_overlays_trampoline_lowered:
0x8: {  	[smem:$0x3FAE] =	sst s0  }
0x9: {  	[smem:$0x3FAF] =	sst s1  }
0xa: {  	[smem:$0x3FB0] =	sst s2  }
0xb: {  	[smem:$0x3FB1] =	sst s3  }
0xc: {  	[smem:$0x3FB2] =	sst s4  }
0xd: {  	[smem:$0x3FB3] =	sst s5  }
0xe: {  	[smem:$0x3FB4] =	sst s6  }
0xf: {  	[smem:$0x3FB5] =	sst s7  }
0x10: {  	[smem:$0x3FB6] =	sst s8  }
0x11: {  	[smem:$0x3FB7] =	sst s9;
	s0 =	simm.s32 @!p0 $0x0  }
0x12: {  	s1 =	sld [smem:$0x3F9D];
	s0 =	simm.s32 @p0 $0x1  }
0x13: {  	[smem:$0x3FB8] =	sst s0;
	s0 =	simm.s32 @!p1 $0x0  }
0x14: {  	s2 =	sld [smem:$0x3F9C];
	s0 =	simm.s32 @p1 $0x1  }
0x15: {  	[smem:$0x3FB9] =	sst s0;
	s0 =	simm.s32 @!p2 $0x0  }
0x16: {  	s3 =	sld [smem:$0x3FDB];
	s0 =	simm.s32 @p2 $0x1  }
0x17: {  	s4 =	simm.s32 $0x1BF5;
	[smem:$0x3FBB] =	sst s0  }
0x18: {  	s0 =	sld [smem:$0x3F9E];
	_ =	swait.ge [sflag:s4], $0x0  }
0x19: {  	s7 =	sld [smem:$0x3F9F]  }
0x1a: {  	s8 =	sadd.s32 $0xFFFFE003, lr  }
0x1b: {  	s9 =	sadd.s32 $0xFFFFFEF7, lr;
	s5 =	simm.s32 $0xFFFFFFFF;
	p2 =	slt.u32 s8, $0xFFFFF086  }
0x1c: {  	p1 =	slt.u32 s9, $0xF7A;
	s5 =	simm.s32 @!p2 $0x0  }
0x1d: {  	s5 =	simm.s32 @p1 $0x1;
	p0 =	seq.s32 s7, s2  }
0x1e: {  	s7 =	smul.u32 @!p0 $0xF7A, s2;
	p2 =	seq.s32 @!p0 s5, $0x0  }
0x1f: {  	s9 =	smul.u32 $0xF7A, s1;
	s8 =	simm.s32 @!p0 $0x1BF5;
	p2 =	por !p2, p0  }
0x20: {  	[sflag:s8] =	ssyncset.s32 @!p0 $0xFFFFF086;
	s6 =	sadd.s32 @!p0 s3, s7;
	s7 =	simm.s32 @!p0 $0x108  }
0x21: {  	s3 =	sadd.s32 s3, s9;
	s6 =	sadd.s32 @!p0 $0x88, s6;
	s7 =	simm.s32 @p2 $0x1082  }
0x22: {  	[simem:s7], [sflag:s8] =	dma.local @!p0 [hbm:s6], $0xF7A  }
0x23: {  	s9 =	sor.u32 $0xD0000000, s2;
	s6 =	simm.s32 $0x108;
	_ =	swait.ge @!p0 [sflag:s8], $0x0  }
0x24: {  	s3 =	sadd.s32 $0x88, s3;
	s6 =	simm.s32 @!p1 $0x1082;
	[sflag:s4] =	ssyncset.s32 $0xFFFFF086  }
0x25: {  	[simem:s6], [sflag:s4] =	dma.local [hbm:s3], $0xF7A  }
0x26: {  	[smem:$0x3F9F] =	sst s1;
	(tag) =	ssettag s2;
	_ =	strace s9  }
0x27: {  	s1 =	sld [smem:$0x3FAF]  }
0x28: {  	s2 =	sld [smem:$0x3FB0]  }
0x29: {  	s4 =	sld [smem:$0x3FB2]  }
0x2a: {  	p0 =	seq.s32 s5, $0x0;
	s5 =	sld [smem:$0x3FB3]  }
0x2b: {  	s6 =	sld [smem:$0x3FB4]  }
0x2c: {  	s7 =	sld [smem:$0x3FB5]  }
0x2d: {  	s3 =	simm.s32 $0x108;
	s8 =	sld [smem:$0x3FB6]  }
0x2e: {  	s3 =	simm.s32 @!p0 $0x1082;
	s9 =	sld [smem:$0x3FB7]  }
0x2f: {  	lr =	sadd.s32 s0, s3;
	s0 =	sld [smem:$0x3FAE]  }
0x30: {  	s3 =	sld [smem:$0x3FB1]  }
0x31: {  	[smem:$0x3FBA] =	sst s10  }
0x32: {  	s10 =	sld [smem:$0x3FB8];
	_ =	sdelay $0x3  }
0x33: {  	p0 =	seq.s32 s10, $0x1;
	s10 =	sld [smem:$0x3FBA];
	_ =	sdelay $0x3  }
0x34: {  	[smem:$0x3FBA] =	sst s10  }
0x35: {  	s10 =	sld [smem:$0x3FB9];
	_ =	sdelay $0x3  }
0x36: {  	p1 =	seq.s32 s10, $0x1;
	s10 =	sld [smem:$0x3FBA];
	_ =	sdelay $0x3  }
0x37: {  	[smem:$0x3FBA] =	sst s10  }
0x38: {  	s10 =	sld [smem:$0x3FBB]  }
0x39: {  	_ = 	snop;
	(pc) =	sbr.ind lr, $3  }
0x3a: {  	_ = 	snop  }
0x3b: {  	_ = 	snop  }
0x3c: {  	p2 =	seq.s32 s10, $0x1;
	s10 =	sld [smem:$0x3FBA]  }
0x3d: {  	_ =	shalt  }
0x3e: {  	_ =	shalt  }
0x3f: {  	_ =	shalt  }
0x40: {  	_ =	shalt  }
0x41: {  	_ =	shalt  }
0x42: {  	_ =	shalt  }
0x43: {  	_ =	shalt  }
0x44: {  	_ =	shalt  }
0x45: {  	_ =	shalt  }
0x46: {  	_ =	shalt  }
0x47: {  	_ =	shalt  }
0x48: {  	_ =	shalt  }
0x49: {  	_ =	shalt  }
0x4a: {  	_ =	shalt  }
0x4b: {  	_ =	shalt  }
0x4c: {  	_ =	shalt  }
0x4d: {  	_ =	shalt  }
0x4e: {  	_ =	shalt  }
0x4f: {  	_ =	shalt  }
0x50: {  	_ =	shalt  }
0x51: {  	_ =	shalt  }
0x52: {  	_ =	shalt  }
0x53: {  	_ =	shalt  }
0x54: {  	_ =	shalt  }
0x55: {  	_ =	shalt  }
0x56: {  	_ =	shalt  }
0x57: {  	_ =	shalt  }
0x58: {  	_ =	shalt  }
0x59: {  	_ =	shalt  }
0x5a: {  	_ =	shalt  }
0x5b: {  	_ =	shalt  }
0x5c: {  	_ =	shalt  }
0x5d: {  	_ =	shalt  }
0x5e: {  	_ =	shalt  }
0x5f: {  	_ =	shalt  }
0x60: {  	_ =	shalt  }
0x61: {  	_ =	shalt  }
0x62: {  	_ =	shalt  }
0x63: {  	_ =	shalt  }
0x64: {  	_ =	shalt  }
0x65: {  	_ =	shalt  }
0x66: {  	_ =	shalt  }
0x67: {  	_ =	shalt  }
0x68: {  	_ =	shalt  }
0x69: {  	_ =	shalt  }
0x6a: {  	_ =	shalt  }
0x6b: {  	_ =	shalt  }
0x6c: {  	_ =	shalt  }
0x6d: {  	_ =	shalt  }
0x6e: {  	_ =	shalt  }
0x6f: {  	_ =	shalt  }
0x70: {  	_ =	shalt  }
0x71: {  	_ =	shalt  }
0x72: {  	_ =	shalt  }
0x73: {  	_ =	shalt  }
0x74: {  	_ =	shalt  }
0x75: {  	_ =	shalt  }
0x76: {  	_ =	shalt  }
0x77: {  	_ =	shalt  }
0x78: {  	_ =	shalt  }
0x79: {  	_ =	shalt  }
0x7a: {  	_ =	shalt  }
0x7b: {  	_ =	shalt  }
0x7c: {  	_ =	shalt  }
0x7d: {  	_ =	shalt  }
0x7e: {  	_ =	shalt  }
0x7f: {  	_ =	shalt  }
0x80: {  	_ =	shalt  }
0x81: {  	_ =	shalt  }
0x82: {  	_ =	shalt  }
0x83: {  	_ =	shalt  }
0x84: {  	_ =	shalt  }
0x85: {  	_ =	shalt  }
0x86: {  	_ =	shalt  }
0x87: {  	_ =	shalt  }
.Lfunc_end0:
.L_simem_size_0:
called_computation.1_lowered:
.L_overlay_start_0:
0x88: {  	s2 =	sld [smem:$0x3FD9]  }
0x89: {  	s3 =	sld [smem:$0x3FFE];
	_ =	sdelay $0x1  }
0x8a: {  	s1 =	srdreg.scid  }
0x8b: {  	s0 =	sand.u32 $0x1, s1  }
0x8c: {  	s17 =	sshll.u32 s0, $0xA;
	s2 =	sadd.s32 s3, s2  }
0x8d: {  	s2 =	sadd.s32 s2, s17  }
0x8e: {  	[smem:$0x3FC6] =	sst s2  }
0x8f: {  	_ = 	snop  }
0x90: {  	s2 =	sld [smem:$0x3FD0];
	(tm) =	ssettm $0x1  }
0x91: {  	s18 =	sld [smem:$0x3FFB];
	_ =	sdelay $0x3  }
0x92: {  	_ =	strace s18  }
0x93: {  	s3 =	sld [smem:$0x3FFC];
	_ =	sdelay $0x3  }
0x94: {  	_ =	strace s3  }
0x95: {  	s3 =	sld [smem:$0x3FFD];
	_ =	sdelay $0x3  }
0x96: {  	_ =	strace s3  }
0x97: {  	_ =	strace $0x8FFFFFFF  }
0x98: {  	s19 =	sld [smem:$0x3FDB];
	_ =	sdelay $0x1  }
0x99: {  	s4 =	simm.s32 $_scs_section_size  }
0x9a: {  	s5 =	simm.s32 $_size__tile_overlayer_lowered;
	s6 =	simm.s32 $_tile_overlayer_lowered  }
0x9b: {  	s22 =	simm.s32 $0x1BFF;
	s21 =	sshll.u32 s6, $0x1;
	s3 =	sadd.s32 s4, s19  }
0x9c: {  	s7 =	simm.s32 $0x0;
	s20 =	sshll.u32 s5, $0x1;
	s5 =	sadd.s32 s21, s3  }
0x9d: {  	[timem:s7], [sflag:s22] =	dma.local [hbm:s5], s20  }
0x9e: {  	_ =	swait.ge [sflag:s22], s20  }
0x9f: {  	s4 =	ssub.s32 $0x0, s20;
	[sflag:s22] =	ssyncset.done $0x0  }
0xa0: {  	[sflag:s22] =	ssyncadd.s32 s4;
	_ =	sdelay $0x1  }
0xa1: {  	s23 =	simm.s32 $0x1B8B  }
0xa2: {  	_ =	swait.ge [sflag:s23], $0x1  }
0xa3: {  	[sflag:s23] =	ssyncset.done $0x0  }
0xa4: {  	s25 =	simm.s32 $0x1B8E;
	s24 =	sld [smem:$0x3FFE];
	[sflag:s23] =	ssyncadd.s32 $0xFFFFFFFF  }
0xa5: {  	s26 =	simm.s32 $execute0_lowered;
	[smem:$0x3FD2] =	sst s25  }
0xa6: {  	s5 =	sshll.u32 s26, $0x1;
	_ =	strace $0x80000046;
	[dreg:$0x1] =	wrdreg $0xFFFFFFFF  }
0xa7: {  	s28 =	simm.s32 $_size_execute0_lowered;
	s3 =	sadd.s32 s3, s5;
	[dreg:$0x0] =	wrdreg $0x0  }
0xa8: {  	s5 =	sshll.u32 s28, $0x1;
	[dreg:$0x2] =	wrdreg s3  }
0xa9: {  	[dreg:$0x3] =	wrdreg s5  }
0xaa: {  	[dreg:$0x4] =	wrdreg $0xC0  }
0xab: {  	_ =	task [dreg:s7], $0x5FFFF  }
0xac: {  	[dreg:$0x1] =	wrdreg $0xFFFFFFFF  }
0xad: {  	[dreg:$0x0] =	wrdreg $0x60  }
0xae: {  	[dreg:$0x2] =	wrdreg s24  }
0xaf: {  	[dreg:$0x3] =	wrdreg s2  }
0xb0: {  	[dreg:$0x4] =	wrdreg $0x9  }
0xb1: {  	_ =	task.clear_ibuf [dreg:s7], $0x5FFFF;
	_ =	strace $0x90000046  }
0xb2: {  	s29 =	simm.s32 $0x9;
	_ =	strace $0x80000048  }
0xb3: {  	_ =	swait.ge [sflag:s29], $0x1  }
0xb4: {  	[sflag:s29] =	ssyncadd.s32 $0xFFFFFFFF  }
0xb5: {  	_ =	strace $0x90000048  }
0xb6: {  	_ =	sfence  }
0xb7: {  	s30 =	sld [smem:$0x0];
	_ =	sdelay $0x2  }
0xb8: {  	s31 =	sshll.u32 s1, $0xD;
	s1 =	sshrl.u32 s1, $0x2  }
0xb9: {  	s3 =	sand.u32 $0x4000, s31;
	s1 =	sadd.s32 s1, s30  }
0xba: {  	s0 =	sor.u32 s3, s0;
	s1 =	sshll.u32 s1, $0x11  }
0xbb: {  	s0 =	sor.u32 s1, s0  }
0xbc: {  	s0 =	sadd.s32 $0x8F2B, s0  }
0xbd: {  	[sflag:s0] =	ssyncadd.remote.s32 $0x1  }
0xbe: {  	_ =	sfence.sel $0xFFFF  }
0xbf: {  	[dreg:$0x0] =	wrdreg $0xFFFFFFFF;
	(pc) =	sbr.abs _section_cstart, $3  }
0xc0: {  	[dreg:$0x1] =	wrdreg $0xFFFFFFFF  }
0xc1: {  	_ =	task.clear_ibuf [dreg:s7], $0x2FFFF;
	_ =	strace $0x9FFFFFFF  }
0xc2: {  	(tm) =	ssettm $0x7FFFFFFF  }
0xc3: {  	_ =	shalt  }
tec
execute0_lowered:
.L_overlay_start_1:
0x0: {  	(tag) =	ssettag $0x1  }
0x1: {  	s1 =	srdreg.scid;
	s5 =	rddreg [dreg:$0x0]  }
0x2: {  	s0 =	stileid.u32;
	s6 =	rddreg [dreg:$0x1];
	s12 =	simm.s32 $0xD  }
0x3: {  	s13 =	simm.s32 $0xE;
	s14 =	simm.s32 $0x0;
	s4 =	sand.u32 $0x1, s1  }
0x4: {  	s30 =	sshll.u32 s0, $0x6;
	s1 =	rddreg [dreg:$0x2];
	s9 =	smul.u32 $0x19000, s0  }
0x5: {  	s2 =	sshll.u32 s4, $0x5;
	s8 =	ssub.s32 $0x2, s4;
	s11 =	smul.u32 $0xC800, s4  }
0x6: {  	s3 =	sor.u32 s2, s30;
	s2 =	simm.s32 $0x0;
	s10 =	sshrl.u32 s8, $0x1  }
0x7: {  	s6 =	sadd.s32 s9, s6;
	s9 =	simm.s32 $0x10;
	s3 =	smul.u32 $0x1A, s3  }
0x8: {  	[smem:$0x7FF] =	sst s2;
	s31 =	ssub.s32 s8, s10;
	s6 =	sadd.s32 s11, s6  }
0x9: {  	s8 =	simm.s32 $0xF;
	s10 =	simm.s32 $0x11;
	s11 =	simm.s32 $0x12  }
0xa: {  	s7 =	sadd.s32 s3, s5;
	s3 =	sadd.s32 $0xF43800, s5;
	s5 =	sadd.s32 $0xC00, s5  }
0xb: {  	_ =	strace $0x80000047;
	s6 =	sadd.s32 $0xFFFFF380, s6;
	[dreg:$0x3] =	wrdreg s5  }
0xc: {  	s4 =	sadd.s32 $0x1400, s7;
	s5 =	smax.u32 s31, $0x1;
	s7 =	simm.s32 $0x13  }
.LBB2_1:
0xd: {  	[tilespmem:s2], [sflag:$0x13] =	stream.linear.gather [hbm4b:s4+s2], $0x1A00, $0x38;
	[tilespmem:$0x14600] =	vst v63  }
0xe: {  	s15 =	simm.s32 $0x0;
	p2 =	por $0x0, $0x0  }
0xf: {  	p0 =	por $0x1, $0x1;
	s15 =	smul.u32 @!p2 $0xAB, s15  }
0x10: {  	s16 =	simm.s32 $0xFFFFFFFE;
	p1 =	por @!p0 $0x0, $0x0  }
0x11: {  	p1 =	por p1, p0;
	p0 =	por @!p2 $0x1, $0x1;
	s15 =	sshrl.u32 @!p2 s15, $0xA  }
0x12: {  	s18 =	simm.s32 @!p1 $0xFFFFFFFF;
	p3 =	por p0, p2;
	s15 =	sand.u32 @!p2 $0x3F, s15  }
0x13: {  	p0 =	por $0x1, $0x1;
	s18 =	sand.u32 @!p1 $0xFF, s18;
	s17 =	smul.u32 @!p2 $0x6, s15  }
0x14: {  	s16 =	sand.u32 @!p0 $0xFF, s16;
	s20 =	smul.u32 @!p1 $0xAB, s18  }
0x15: {  	s19 =	simm.s32 $0xFFFFFF30;
	_ =	swait.ge [sflag:s7], $0x1A00;
	s16 =	smul.u32 @!p0 $0xAB, s16  }
0x16: {  	s23 =	simm.s32 @!p2 $0x0;
	[sflag:s7] =	ssyncset.done $0x0;
	s20 =	sshrl.u32 @!p1 s20, $0xA  }
0x17: {  	s17 =	ssub.s32 @!p2 $0x0, s17;
	s16 =	sshrl.u32 @!p0 s16, $0xA;
	s20 =	smul.u32 @!p1 $0x6, s20  }
0x18: {  	[sflag:s7] =	ssyncadd.s32 $0xFFFFE600;
	s17 =	sand.u32 @!p2 $0xFF, s17;
	s16 =	smul.u32 @!p0 $0x6, s16  }
0x19: {  	s15 =	simm.s32 $0xFFFFFFFF;
	s21 =	sadd.s32 @!p3 $0xD, s17;
	s22 =	smul.u32 @!p2 $0xC800, s17  }
0x1a: {  	s17 =	sadd.s32 @!p2 $0x1, s17;
	_ =	swait.ge @!p3 [sflag:s21], $0x3200;
	s20 =	ssub.s32 @!p1 $0xFFFFFFFF, s20  }
0x1b: {  	s22 =	sshrl.u32 @!p2 s22, $0x2;
	s24 =	rddreg [dreg:$0x3];
	[sflag:s21] =	ssyncset.done @!p3 $0x0  }
0x1c: {  	s20 =	sand.u32 @!p1 $0xFF, s20;
	s22 =	sadd.s32 @!p2 $0x1A00, s22;
	[sflag:s21] =	ssyncadd.s32 @!p3 $0xFFFFCE00  }
0x1d: {  	[tilespmem:s22], [sflag:s17] =	stream.linear.gather @!p2 [hbm4b:s24+s23], $0x3200, $0x38;
	[tilespmem:$0x14600] =	vst v63  }
0x1e: {  	s18 =	simm.s32 $0x0;
	s21 =	sadd.s32 @!p1 $0x1, s20;
	s17 =	smul.u32 @!p1 $0xC800, s20  }
0x1f: {  	s22 =	ssub.s32 @!p0 $0xFFFFFFFE, s16;
	s23 =	simm.s32 @!p1 $0x64;
	_ =	swait.ge @!p1 [sflag:s21], $0x3200  }
0x20: {  	s20 =	sadd.s32 @!p1 $0x7, s20;
	[sflag:s21] =	ssyncset.done @!p1 $0x0;
	s17 =	sshrl.u32 @!p1 s17, $0x2  }
0x21: {  	[sflag:s21] =	ssyncadd.s32 @!p1 $0xFFFFCE00;
	s21 =	sand.u32 @!p0 $0xFF, s22;
	s22 =	sadd.s32 @!p1 $0x1A00, s17  }
0x22: {  	[tilespmem:s22], [sflag:s20] =	stream.indirect.gather.add.f32 @!p1 [hbm:s3], $0x40, s19, s23, $0xb8;
	[tilespmem:$0x14600] =	vst v63  }
0x23: {  	s17 =	sadd.s32 @!p1 $0x3300, s17;
	s19 =	smul.u32 @!p0 $0xC800, s21;
	s22 =	simm.s32 @!p1 $0xFFFFFF98  }
0x24: {  	[tilespmem:s17], [sflag:s20] =	stream.indirect.gather.add.f32 @!p1 [hbm:s3], $0x40, s22, s23, $0xb8;
	[tilespmem:$0x14600] =	vst v63  }
0x25: {  	s16 =	simm.s32 $0x0;
	s25 =	sadd.s32 @!p0 $0x7, s21;
	s20 =	sadd.s32 @!p0 $0xD, s21  }
0x26: {  	s19 =	sshrl.u32 @!p0 s19, $0x2;
	s17 =	sadd.s32 $0x640, s6;
	s22 =	simm.s32 $0x1  }
0x27: {  	_ =	swait.ge @!p0 [sflag:s25], $0x1900;
	s23 =	sadd.s32 @!p0 $0x1A00, s19;
	s19 =	smov.u32 s6  }
.LBB2_2:
0x28: {  	p3 =	sgt.u32 s22, $0x1F;
	[sflag:s25] =	ssyncset.done @!p0 $0x0;
	s24 =	smov.u32 s15  }
0x29: {  	s15 =	smov.u32 s18;
	s18 =	sadd.s32 $0x1, s18;
	s26 =	smul.u32 @!p3 $0xAB, s22  }
0x2a: {  	p2 =	seq.s32 s22, $0x0;
	s29 =	simm.s32 @!p0 $0x0;
	[sflag:s25] =	ssyncadd.s32 @!p0 $0xFFFFE700  }
0x2b: {  	p5 =	seq.s32 @!p2 s22, $0x21;
	_ =	swait.ge @!p0 [sflag:s25], $0x1900;
	s26 =	sshrl.u32 @!p3 s26, $0xA  }
0x2c: {  	p2 =	por p5, p2;
	[sflag:s25] =	ssyncset.done @!p0 $0x0;
	s26 =	sand.u32 @!p3 $0x3F, s26  }
0x2d: {  	[sflag:s25] =	ssyncadd.s32 @!p0 $0xFFFFE700;
	s25 =	smul.u32 @!p3 $0x6, s26;
	s26 =	sadd.s32 @!p2 $0x1, s24  }
0x2e: {  	[hbm4b:s19+s29] =	stream.linear.scatter @!p0 [tilespmem:s23], [sflag:s20], $0x3200, $0x38;
	[tilespmem:$0x14600] =	vst v63  }
0x2f: {  	p4 =	slt.u32 @!p3 s22, $0x6;
	s28 =	sand.u32 @!p2 $0xFF, s26;
	s25 =	ssub.s32 @!p3 s22, s25  }
0x30: {  	p0 =	slt.u32 s22, $0x2;
	s28 =	smul.u32 @!p2 $0xAB, s28;
	s25 =	sand.u32 @!p3 $0xFF, s25  }
0x31: {  	p4 =	por p4, p3;
	s23 =	sand.u32 @!p0 $0xFF, s24;
	s31 =	smul.u32 @!p3 $0xC800, s25  }
0x32: {  	s23 =	smul.u32 @!p0 $0xAB, s23;
	s30 =	sadd.s32 @!p4 $0xD, s25;
	s28 =	sshrl.u32 @!p2 s28, $0xA  }
0x33: {  	s20 =	sadd.s32 @!p3 $0x1, s25;
	_ =	swait.ge @!p4 [sflag:s30], $0x3200;
	s19 =	sshrl.u32 @!p3 s31, $0x2  }
0x34: {  	s25 =	simm.s32 @!p3 $0x0;
	[sflag:s30] =	ssyncset.done @!p4 $0x0;
	s22 =	sadd.s32 @!p3 $0x1A00, s19  }
0x35: {  	s19 =	smul.u32 @!p2 $0x6, s28;
	s28 =	rddreg [dreg:$0x3];
	[sflag:s30] =	ssyncadd.s32 @!p4 $0xFFFFCE00  }
0x36: {  	[tilespmem:s22], [sflag:s20] =	stream.linear.gather @!p3 [hbm4b:s28+s25], $0x3200, $0x38;
	[tilespmem:$0x14600] =	vst v63  }
0x37: {  	s21 =	smov.u32 s16;
	s16 =	sadd.s32 $0xD0, s16;
	s19 =	ssub.s32 @!p2 s26, s19  }
0x38: {  	p1 =	sne.s32 s18, $0x20;
	s26 =	sand.u32 @!p2 $0xFF, s19;
	s19 =	sshrl.u32 @!p0 s23, $0xA  }
0x39: {  	s23 =	sadd.s32 @!p2 $0x1, s26;
	s29 =	smul.u32 @!p0 $0x6, s19;
	s19 =	smov.u32 s17  }
0x3a: {  	s20 =	smul.u32 @!p2 $0xC800, s26;
	s26 =	sadd.s32 @!p2 $0x7, s26;
	_ =	swait.ge @!p2 [sflag:s23], $0x3200  }
0x3b: {  	s17 =	sadd.s32 $0x640, s17;
	s22 =	ssub.s32 @!p0 s24, s29;
	[sflag:s23] =	ssyncset.done @!p2 $0x0  }
0x3c: {  	s24 =	simm.s32 @!p2 $0x64;
	s20 =	sshrl.u32 @!p2 s20, $0x2;
	s22 =	sand.u32 @!p0 $0xFF, s22  }
0x3d: {  	[sflag:s23] =	ssyncadd.s32 @!p2 $0xFFFFCE00;
	s23 =	sadd.s32 @!p2 $0x1A00, s20;
	s29 =	smul.u32 @!p0 $0xC800, s22  }
.Ltmp0:
0x3e: {  	s28 =	sadd.s32 @!p2 $0x3300, s20;
	s25 =	sadd.s32 @!p0 $0x7, s22;
	(pc) =	sbr.rel @p1 .LBB2_2-.Ltmp0, $4  }
0x3f: {  	[tilespmem:s23], [sflag:s26] =	stream.indirect.gather.add.f32 @!p2 [hbm:s3], $0x40, s21, s24, $0xb8;
	[tilespmem:$0x14600] =	vst v63  }
0x40: {  	s20 =	sadd.s32 @!p0 $0xD, s22;
	s21 =	sadd.s32 @!p2 $0x68, s21;
	s23 =	sshrl.u32 @!p0 s29, $0x2  }
0x41: {  	[tilespmem:s28], [sflag:s26] =	stream.indirect.gather.add.f32 @!p2 [hbm:s3], $0x40, s21, s24, $0xb8;
	[tilespmem:$0x14600] =	vst v63  }
0x42: {  	s22 =	sadd.s32 $0x2, s15;
	_ =	swait.ge @!p0 [sflag:s25], $0x1900;
	s23 =	sadd.s32 @!p0 $0x1A00, s23  }
0x43: {  	p2 =	sgt.u32 s22, $0x1F  }
0x44: {  	p1 =	seq.s32 s22, $0x0;
	s18 =	smul.u32 @!p2 $0xAB, s22  }
0x45: {  	[sflag:s25] =	ssyncset.done @!p0 $0x0;
	p3 =	seq.s32 @!p1 s22, $0x21  }
0x46: {  	[sflag:s25] =	ssyncadd.s32 @!p0 $0xFFFFE700;
	p1 =	por p3, p1;
	s18 =	sshrl.u32 @!p2 s18, $0xA  }
0x47: {  	_ =	swait.ge @!p0 [sflag:s25], $0x1900;
	s21 =	sadd.s32 @!p1 $0x1, s15;
	s18 =	sand.u32 @!p2 $0x3F, s18  }
0x48: {  	[sflag:s25] =	ssyncset.done @!p0 $0x0;
	s24 =	sand.u32 @!p1 $0xFF, s21;
	s18 =	smul.u32 @!p2 $0x6, s18  }
0x49: {  	[sflag:s25] =	ssyncadd.s32 @!p0 $0xFFFFE700;
	s25 =	simm.s32 @!p0 $0x0;
	s24 =	smul.u32 @!p1 $0xAB, s24  }
0x4a: {  	[hbm4b:s19+s25] =	stream.linear.scatter @!p0 [tilespmem:s23], [sflag:s20], $0x3200, $0x38;
	[tilespmem:$0x14600] =	vst v63  }
0x4b: {  	p3 =	slt.u32 @!p2 s22, $0x6;
	p0 =	slt.u32 s22, $0x2;
	s19 =	sshrl.u32 @!p1 s24, $0xA  }
0x4c: {  	s18 =	ssub.s32 @!p2 s22, s18;
	s22 =	sand.u32 @!p0 $0xFF, s15;
	s19 =	smul.u32 @!p1 $0x6, s19  }
0x4d: {  	p3 =	por p3, p2;
	s18 =	sand.u32 @!p2 $0xFF, s18;
	s22 =	smul.u32 @!p0 $0xAB, s22  }
0x4e: {  	s26 =	sadd.s32 @!p3 $0xD, s18;
	s28 =	smul.u32 @!p2 $0xC800, s18  }
0x4f: {  	s23 =	simm.s32 @!p2 $0x0;
	s18 =	sadd.s32 @!p2 $0x1, s18;
	_ =	swait.ge @!p3 [sflag:s26], $0x3200  }
0x50: {  	s19 =	ssub.s32 @!p1 s21, s19;
	s21 =	sshrl.u32 @!p0 s22, $0xA;
	s20 =	sshrl.u32 @!p2 s28, $0x2  }
0x51: {  	s24 =	rddreg [dreg:$0x3];
	[sflag:s26] =	ssyncset.done @!p3 $0x0;
	s19 =	sand.u32 @!p1 $0xFF, s19  }
0x52: {  	s21 =	smul.u32 @!p0 $0x6, s21;
	s20 =	sadd.s32 @!p2 $0x1A00, s20;
	[sflag:s26] =	ssyncadd.s32 @!p3 $0xFFFFCE00  }
0x53: {  	[tilespmem:s20], [sflag:s18] =	stream.linear.gather @!p2 [hbm4b:s24+s23], $0x3200, $0x38;
	[tilespmem:$0x14600] =	vst v63  }
0x54: {  	s22 =	sadd.s32 @!p1 $0x1, s19;
	s18 =	smul.u32 @!p1 $0xC800, s19  }
0x55: {  	s15 =	ssub.s32 @!p0 s15, s21;
	s20 =	simm.s32 @!p1 $0x64;
	_ =	swait.ge @!p1 [sflag:s22], $0x3200  }
0x56: {  	s19 =	sadd.s32 @!p1 $0x7, s19;
	[sflag:s22] =	ssyncset.done @!p1 $0x0;
	s18 =	sshrl.u32 @!p1 s18, $0x2  }
0x57: {  	s15 =	sand.u32 @!p0 $0xFF, s15;
	[sflag:s22] =	ssyncadd.s32 @!p1 $0xFFFFCE00;
	s21 =	sadd.s32 @!p1 $0x1A00, s18  }
0x58: {  	[tilespmem:s21], [sflag:s19] =	stream.indirect.gather.add.f32 @!p1 [hbm:s3], $0x40, s16, s20, $0xb8;
	[tilespmem:$0x14600] =	vst v63  }
0x59: {  	s18 =	sadd.s32 @!p1 $0x3300, s18;
	s21 =	sadd.s32 @!p0 $0x7, s15;
	s16 =	sadd.s32 @!p1 $0x68, s16  }
0x5a: {  	[tilespmem:s18], [sflag:s19] =	stream.indirect.gather.add.f32 @!p1 [hbm:s3], $0x40, s16, s20, $0xb8;
	[tilespmem:$0x14600] =	vst v63  }
0x5b: {  	_ =	swait.ge @!p0 [sflag:s21], $0x1900  }
0x5c: {  	[sflag:s21] =	ssyncset.done @!p0 $0x0  }
0x5d: {  	s16 =	smul.u32 @!p0 $0xC800, s15;
	[sflag:s21] =	ssyncadd.s32 @!p0 $0xFFFFE700  }
0x5e: {  	_ =	swait.ge @!p0 [sflag:s21], $0x1900  }
0x5f: {  	s15 =	sadd.s32 @!p0 $0xD, s15;
	s16 =	sshrl.u32 @!p0 s16, $0x2;
	[sflag:s21] =	ssyncset.done @!p0 $0x0  }
0x60: {  	s18 =	simm.s32 @!p0 $0x0;
	s16 =	sadd.s32 @!p0 $0x1A00, s16;
	[sflag:s21] =	ssyncadd.s32 @!p0 $0xFFFFE700  }
0x61: {  	[hbm4b:s17+s18] =	stream.linear.scatter @!p0 [tilespmem:s16], [sflag:s15], $0x3200, $0x38;
	[tilespmem:$0x14600] =	vst v63  }
0x62: {  	_ =	swait.ge [sflag:s8], $0x3200  }
0x63: {  	[sflag:s8] =	ssyncset.done $0x0  }
0x64: {  	[sflag:s8] =	ssyncadd.s32 $0xFFFFCE00  }
0x65: {  	_ =	swait.ge [sflag:s9], $0x3200  }
0x66: {  	[sflag:s9] =	ssyncset.done $0x0  }
0x67: {  	[sflag:s9] =	ssyncadd.s32 $0xFFFFCE00  }
0x68: {  	_ =	swait.ge [sflag:s10], $0x3200  }
0x69: {  	[sflag:s10] =	ssyncset.done $0x0  }
0x6a: {  	[sflag:s10] =	ssyncadd.s32 $0xFFFFCE00  }
0x6b: {  	_ =	swait.ge [sflag:s11], $0x3200  }
0x6c: {  	[sflag:s11] =	ssyncset.done $0x0  }
0x6d: {  	s14 =	sadd.s32 $0x1, s14;
	[sflag:s11] =	ssyncadd.s32 $0xFFFFCE00  }
0x6e: {  	p0 =	sne.s32 s14, s5;
	_ =	swait.ge [sflag:s12], $0x3200  }
.Ltmp1:
0x6f: {  	[sflag:s12] =	ssyncset.done $0x0;
	(pc) =	sbr.rel @p0 .LBB2_1-.Ltmp1, $4  }
0x70: {  	[sflag:s12] =	ssyncadd.s32 $0xFFFFCE00  }
0x71: {  	_ =	swait.ge [sflag:s13], $0x3200  }
0x72: {  	[sflag:s13] =	ssyncset.done $0x0  }
0x73: {  	[sflag:s13] =	ssyncadd.s32 $0xFFFFCE00  }
0x74: {  	_ =	sfence.sel $0x180000  }
0x75: {  	[bflag:$0x0] =	sbarrier.arrive $0xFFFF  }
0x76: {  	p0 =	sne.s32 s0, $0x0;
	_ =	strace $0x90000047  }
0x77: {  	s0 =	sadd.s32 @!p0 $0x100000, s1;
	[bflag:$0x2] =	sbarrier.arrive $0xFFFF  }
0x78: {  	[sflag:s0] =	ssyncadd.tile.s32 @!p0 $0x1;
	_ =	shalt  }
.Lfunc_end2:
_tile_overlayer_lowered:
.L_overlay_start_2:
0x79: {  	(tag) =	ssettag $0x2  }
0x7a: {  	s0 =	rddreg [dreg:$0x0];
	s2 =	stileid.u32  }
0x7b: {  	s1 =	rddreg [dreg:$0x1];
	p0 =	sne.s32 s2, $0x0  }
0x7c: {  	s3 =	rddreg [dreg:$0x2];
	[bflag:$0x3] =	sbarrier.arrive $0xFFFF;
	s2 =	simm.s32 @!p0 $0x1C13  }
0x7d: {  	[timem:s3], [sflag:s2] =	dma.local @!p0 [hbm:s0], s1  }
0x7e: {  	s0 =	simm.s32 @!p0 $0x13  }
0x7f: {  	_ =	swait.ge @!p0 [sflag:s0], s1  }
0x80: {  	s1 =	ssub.s32 @!p0 $0x0, s1;
	[sflag:s0] =	ssyncset.done @!p0 $0x0  }
0x81: {  	[sflag:s0] =	ssyncadd.s32 @!p0 s1  }
0x82: {  	[bflag:$0x3] =	sbarrier.arrive $0xFFFF  }
0x83: {  	_ =	shalt  }

// kernel: sparse-core-data-format-call.cloned.1.call-start
scs
called_computation_lowered:
.L_overlay_start_0:
0x0: {  	s2 =	sld [smem:$0x3FD9]  }
0x1: {  	s3 =	sld [smem:$0x3FFE];
	_ =	sdelay $0x1  }
0x2: {  	s1 =	srdreg.scid  }
0x3: {  	s0 =	sand.u32 $0x1, s1  }
0x4: {  	s18 =	sshll.u32 s0, $0xA;
	s2 =	sadd.s32 s3, s2  }
0x5: {  	s2 =	sadd.s32 s2, s18  }
0x6: {  	[smem:$0x3FC6] =	sst s2  }
0x7: {  	_ = 	snop  }
0x8: {  	s2 =	sld [smem:$0x3FD0];
	(tm) =	ssettm $0x1  }
0x9: {  	s19 =	sld [smem:$0x3FFB];
	_ =	sdelay $0x3  }
0xa: {  	_ =	strace s19  }
0xb: {  	s3 =	sld [smem:$0x3FFC];
	_ =	sdelay $0x3  }
0xc: {  	_ =	strace s3  }
0xd: {  	s3 =	sld [smem:$0x3FFD];
	_ =	sdelay $0x3  }
0xe: {  	_ =	strace s3  }
0xf: {  	_ =	strace $0x8FFFFFFF  }
0x10: {  	s20 =	sld [smem:$0x3FDB];
	_ =	sdelay $0x1  }
0x11: {  	s4 =	simm.s32 $_scs_section_size  }
0x12: {  	s5 =	simm.s32 $_size__tile_overlayer_lowered;
	s6 =	simm.s32 $_tile_overlayer_lowered  }
0x13: {  	s23 =	simm.s32 $0x1BFF;
	s22 =	sshll.u32 s6, $0x1;
	s3 =	sadd.s32 s4, s20  }
0x14: {  	s7 =	simm.s32 $0x0;
	s21 =	sshll.u32 s5, $0x1;
	s5 =	sadd.s32 s22, s3  }
0x15: {  	[timem:s7], [sflag:s23] =	dma.local [hbm:s5], s21  }
0x16: {  	_ =	swait.ge [sflag:s23], s21  }
0x17: {  	s4 =	ssub.s32 $0x0, s21;
	[sflag:s23] =	ssyncset.done $0x0  }
0x18: {  	[sflag:s23] =	ssyncadd.s32 s4;
	_ =	sdelay $0x1  }
0x19: {  	s24 =	simm.s32 $0x1B8B  }
0x1a: {  	_ =	swait.ge [sflag:s24], $0x1  }
0x1b: {  	[sflag:s24] =	ssyncset.done $0x0  }
0x1c: {  	s26 =	simm.s32 $0x1B8E;
	s25 =	sld [smem:$0x3FFE];
	[sflag:s24] =	ssyncadd.s32 $0xFFFFFFFF  }
0x1d: {  	s27 =	simm.s32 $execute0_lowered;
	[smem:$0x3FD2] =	sst s26  }
0x1e: {  	s5 =	sshll.u32 s27, $0x1;
	_ =	strace $0x80000049;
	[dreg:$0x1] =	wrdreg $0xFFFFFFFF  }
0x1f: {  	s28 =	simm.s32 $_size_execute0_lowered;
	s3 =	sadd.s32 s3, s5;
	[dreg:$0x0] =	wrdreg $0x0  }
0x20: {  	s5 =	sshll.u32 s28, $0x1;
	[dreg:$0x2] =	wrdreg s3  }
0x21: {  	[dreg:$0x3] =	wrdreg s5  }
0x22: {  	[dreg:$0x4] =	wrdreg $0xC0  }
0x23: {  	_ =	task [dreg:s7], $0x5FFFF  }
0x24: {  	[dreg:$0x1] =	wrdreg $0xFFFFFFFF  }
0x25: {  	[dreg:$0x0] =	wrdreg $0x60  }
0x26: {  	[dreg:$0x2] =	wrdreg s25  }
0x27: {  	[dreg:$0x3] =	wrdreg s2  }
0x28: {  	[dreg:$0x4] =	wrdreg $0x9  }
0x29: {  	_ =	task.clear_ibuf [dreg:s7], $0x5FFFF;
	_ =	strace $0x90000049  }
0x2a: {  	s29 =	simm.s32 $0x9;
	_ =	strace $0x8000004B  }
0x2b: {  	_ =	swait.ge [sflag:s29], $0x1  }
0x2c: {  	[sflag:s29] =	ssyncadd.s32 $0xFFFFFFFF  }
0x2d: {  	_ =	strace $0x9000004B  }
0x2e: {  	_ =	sfence  }
0x2f: {  	s30 =	sld [smem:$0x0];
	_ =	sdelay $0x2  }
0x30: {  	s31 =	sshll.u32 s1, $0xD;
	s1 =	sshrl.u32 s1, $0x2  }
0x31: {  	s3 =	sand.u32 $0x4000, s31;
	s1 =	sadd.s32 s1, s30  }
0x32: {  	s0 =	sor.u32 s3, s0;
	s1 =	sshll.u32 s1, $0x11  }
0x33: {  	s0 =	sor.u32 s1, s0  }
0x34: {  	s0 =	sadd.s32 $0x8F2B, s0  }
0x35: {  	[sflag:s0] =	ssyncadd.remote.s32 $0x1  }
0x36: {  	_ =	sfence.sel $0xFFFF  }
0x37: {  	[dreg:$0x0] =	wrdreg $0xFFFFFFFF;
	(pc) =	sbr.abs _section_cstart, $3  }
0x38: {  	[dreg:$0x1] =	wrdreg $0xFFFFFFFF  }
0x39: {  	_ =	task.clear_ibuf [dreg:s7], $0x2FFFF;
	_ =	strace $0x9FFFFFFF  }
0x3a: {  	(tm) =	ssettm $0x7FFFFFFF  }
0x3b: {  	_ =	shalt  }
tec
execute0_lowered:
.L_overlay_start_1:
0x0: {  	(tag) =	ssettag $0x1  }
0x1: {  	s0 =	stileid.u32;
	s6 =	rddreg [dreg:$0x0]  }
0x2: {  	s2 =	rddreg [dreg:$0x1];
	s5 =	srdreg.scid  }
0x3: {  	s31 =	simm.s32 $0x2;
	s13 =	simm.s32 $0x0;
	s1 =	sshll.u32 s0, $0x7  }
0x4: {  	s14 =	simm.s32 $0x0;
	s12 =	simm.s32 $0x0;
	s3 =	sand.u32 $0x380, s1  }
0x5: {  	s5 =	sshll.u32 s5, $0x4;
	s6 =	sadd.s32 $0xC00, s6;
	s4 =	ssub.s32 $0x400, s3  }
0x6: {  	s1 =	rddreg [dreg:$0x2];
	_ =	strace $0x8000004A;
	s7 =	sand.u32 $0x380, s4  }
0x7: {  	s5 =	sand.u32 $0x10, s5;
	p0 =	sne.s32 s7, $0x0;
	s7 =	simm.s32 $0x1  }
.Ltmp0:
0x8: {  	s8 =	sshrl.u32 s4, $0xA;
	s7 =	simm.s32 @!p0 $0x0;
	(pc) =	sbr.rel .LBB1_1-.Ltmp0, $4  }
0x9: {  	s9 =	sor.u32 s0, s5;
	s4 =	simm.s32 $0x1;
	s30 =	sadd.s32 s7, s8  }
0xa: {  	s11 =	smov.u32 s3;
	[sflag:s4] =	ssyncpa.u1 $0x0;
	s5 =	smul.u32 $0x32, s30  }
0xb: {  	[sflag:s31] =	ssyncpa.u1 $0x0;
	p0 =	por $0x0, $0x0;
	s7 =	sshrl.u32 s9, $0x3  }
0xc: {  	s9 =	simm.s32 $0x2000;
	s10 =	smov.u32 s7;
	s8 =	sor.u32 $0x1, s5  }
.LBB1_4:
0xd: {  	s17 =	sand.u32 $0x1F80, s14;
	s13 =	sshll.u32 s13, $0xD  }
0xe: {  	[tilespmem:s16+$0x810 ss:$0x81] =	vst.msk $0xffff, v2;
	s18 =	sshrl.u32 s14, $0x3;
	s31 =	sand.u32 $0x7, s14;
	s17 =	sadd.s32 s2, s17  }
0xf: {  	[tilespmem:s16+$0x1020 ss:$0x81] =	vst.msk $0xffff, v0;
	s18 =	sand.u32 $0xF, s18;
	s14 =	sshll.u32 s31, $0x12;
	s13 =	sadd.s32 s13, s17  }
0x10: {  	[tilespmem:s16+$0x0 ss:$0x81] =	vst.msk $0xffff, v1;
	s14 =	sor.u32 $0x400, s14;
	s13 =	sadd.s32 s18, s13  }
0x11: {  	[hbm4b:s13+s14] =	stream.strided.scatter [tilespmem:s15], [sflag:$0x2], $0x2000, s9, s14, $0x20;
	[tilespmem:$0x8080] =	vst v63  }
.LBB1_5:
0x12: {  	s15 =	sadd.s32 $0x4, s10  }
0x13: {  	s13 =	sadd.s32 $0x400, s11;
	s17 =	smov.u32 s11;
	p2 =	sgt.s32 s15, $0xC7  }
0x14: {  	s17 =	smov.u32 @p2 s13  }
0x15: {  	s15 =	smov.u32 @p2 s7;
	p2 =	sgt.s32 s17, $0x3FF  }
0x16: {  	s17 =	smov.u32 @p2 s3;
	p2 =	sne.s32 s12, s8  }
.Ltmp1:
0x17: {  	p1 =	slt.u32 s12, $0x2;
	(pc) =	sbr.rel @!p2 .LBB1_6-.Ltmp1, $4  }
0x18: {  	s16 =	simm.s32 @!p1 $0x2  }
0x19: {  	s14 =	smov.u32 s11;
	p0 =	por !p0, !p0;
	_ =	swait.ge @!p1 [sflag:s16], $0x2000  }
0x1a: {  	s13 =	smov.u32 s10;
	[sflag:s16] =	ssyncset.done @!p1 $0x0;
	s10 =	smov.u32 s15  }
0x1b: {  	s12 =	sadd.s32 $0x1, s12;
	[sflag:s16] =	ssyncadd.s32 @!p1 $0xFFFFE000;
	s11 =	smov.u32 s17  }
.LBB1_1:
0x1c: {  	p1 =	sge.u32 s12, s5  }
0x1d: {  	s15 =	sand.u32 @!p1 $0x1FFFFFF, s10  }
0x1e: {  	s16 =	smulhi.u32 @!p1 $0x147AE15, s15;
	_ =	sdelay $0x1  }
0x1f: {  	s16 =	smul.u32 @!p1 $0xC8, s16  }
0x20: {  	s17 =	sxor.u32 @!p1 $0xFFFFFFFF, s12;
	s18 =	smul.u32 @!p1 $0xC80, s11  }
0x21: {  	s31 =	sadd.s32 $0xFFFFFFFF, s12;
	s17 =	sshll.u32 @!p1 s17, $0xD;
	s15 =	ssub.s32 @!p1 s15, s16  }
0x22: {  	s16 =	sand.u32 @!p1 $0x2000, s17;
	s17 =	sadd.s32 @!p1 s6, s18;
	s15 =	sshll.u32 @!p1 s15, $0x4  }
0x23: {  	s18 =	simm.s32 @!p1 $0x6400;
	s15 =	sadd.s32 @!p1 s15, s17;
	s17 =	simm.s32 @!p1 $0x40  }
0x24: {  	[tilespmem:s16], [sflag:$0x1] =	stream.strided.gather @!p1 [hbm4b:s15+s17], $0x2000, s18, s17, $0x38;
	[tilespmem:$0x8080] =	vst v63  }
0x25: {  	p1 =	sge.u32 s31, s5  }
.Ltmp2:
0x26: {  	_ = 	snop;
	(pc) =	sbr.rel @p1 .LBB1_5-.Ltmp2, $1  }
0x27: {  	_ =	sdelay $0x3  }
0x28: {  	s15 =	simm.s32 $0x1  }
0x29: {  	_ =	swait.ge [sflag:s4], $0x2000;
	s15 =	simm.s32 @!p0 $0x0  }
0x2a: {  	[sflag:s4] =	ssyncset.done $0x0;
	s16 =	sshll.u32 s15, $0xD  }
0x2b: {  	[sflag:s4] =	ssyncadd.s32 $0xFFFFE000;
	s19 =	sor.u32 $0x20, s16  }
0x2c: {  	s15 =	smul.u32 $0x8100, s15;
	v3 =	vld [tilespmem:s19+$0x10]  }
0x2d: {  	s30 =	sand.u32 $0x1, s12;
	v2 =	vld [tilespmem:s19+$0xFFFFFFF0]  }
0x2e: {  	s16 =	smul.u32 $0x8100, s30;
	s15 =	sshrl.u32 s15, $0x2;
	v0 =	vld [tilespmem:s19+$0x0]  }
0x2f: {  	v1 =	vld [tilespmem:s19+$0xFFFFFFE0];
	s17 =	sor.u32 $0x4000, s15  }
0x30: {  	s31 =	sshrl.u32 s16, $0x2;
	s16 =	sadd.s32 $0x0, s17  }
0x31: {  	s18 =	simm.s32 $0x4;
	s19 =	sadd.s32 $0x40, s19;
	s15 =	sor.u32 $0x4000, s31;
	[tilespmem:s16+$0x1830 ss:$0x81] =	vst.msk $0xffff, v3  }
.LBB1_3:
0x32: {  	v3 =	vld [tilespmem:s19+$0x10];
	p1 =	sne.s32 s18, $0x1FC;
	[tilespmem:s16+$0x810 ss:$0x81] =	vst.msk $0xffff, v2;
	s20 =	smov.u32 s18;
	s18 =	sadd.s32 $0x4, s18  }
.Ltmp3:
0x33: {  	v2 =	vld [tilespmem:s19+$0xFFFFFFF0];
	[tilespmem:s16+$0x1020 ss:$0x81] =	vst.msk $0xffff, v0;
	(pc) =	sbr.rel @p1 .LBB1_3-.Ltmp3, $4  }
0x34: {  	v0 =	vld [tilespmem:s19+$0x0];
	[tilespmem:s16+$0x0 ss:$0x81] =	vst.msk $0xffff, v1  }
0x35: {  	s16 =	sshra.s32 s20, $0x2;
	v1 =	vld [tilespmem:s19+$0xFFFFFFE0]  }
0x36: {  	s16 =	sadd.s32 s16, s17  }
0x37: {  	s19 =	sadd.s32 $0x40, s19;
	[tilespmem:s16+$0x1830 ss:$0x81] =	vst.msk $0xffff, v3  }
.Ltmp4:
0x38: {  	_ = 	snop;
	(pc) =	sbr.rel .LBB1_4-.Ltmp4, $1  }
0x39: {  	_ =	sdelay $0x3  }
.LBB1_6:
0x3a: {  	_ =	sfence.sel $0x180000  }
0x3b: {  	s2 =	simm.s32 $0x1;
	[bflag:$0x0] =	sbarrier.arrive $0xFFFF  }
0x3c: {  	s31 =	simm.s32 $0x2;
	[sflag:s2] =	ssyncpa.u1 $0x1  }
0x3d: {  	[sflag:s31] =	ssyncpa.u1 $0x1  }
0x3e: {  	p0 =	sne.s32 s0, $0x0;
	_ =	strace $0x9000004A  }
0x3f: {  	s0 =	sadd.s32 @!p0 $0x100000, s1;
	[bflag:$0x2] =	sbarrier.arrive $0xFFFF  }
0x40: {  	[sflag:s0] =	ssyncadd.tile.s32 @!p0 $0x1;
	_ =	shalt  }
.Lfunc_end1:
_tile_overlayer_lowered:
.L_overlay_start_2:
0x41: {  	(tag) =	ssettag $0x2  }
0x42: {  	s0 =	rddreg [dreg:$0x0];
	s2 =	stileid.u32  }
0x43: {  	s1 =	rddreg [dreg:$0x1];
	p0 =	sne.s32 s2, $0x0  }
0x44: {  	s3 =	rddreg [dreg:$0x2];
	[bflag:$0x3] =	sbarrier.arrive $0xFFFF;
	s2 =	simm.s32 @!p0 $0x1C01  }
0x45: {  	[timem:s3], [sflag:s2] =	dma.local @!p0 [hbm:s0], s1  }
0x46: {  	s0 =	simm.s32 @!p0 $0x1  }
0x47: {  	_ =	swait.ge @!p0 [sflag:s0], s1  }
0x48: {  	s1 =	ssub.s32 @!p0 $0x0, s1;
	[sflag:s0] =	ssyncset.done @!p0 $0x0  }
0x49: {  	[sflag:s0] =	ssyncadd.s32 @!p0 s1  }
0x4a: {  	[bflag:$0x3] =	sbarrier.arrive $0xFFFF  }
0x4b: {  	_ =	shalt  }

</sc_bundles>
